<compile_context>
chip_gen: v7x
topology: tpu7x:2x2x1
jax: 0.10.2.dev20260603
libtpu: 0.0.44.dev20260713+nightly
codegen_flags: <defaults>
</compile_context>

<pallas_src>
import functools

import jax
import jax.numpy as jnp
from jax import lax
from jax.experimental import pallas as pl
from jax.experimental.pallas import tpu as pltpu
from jax.experimental.pallas import tpu_sc as plsc


def kernel(input, unit_mapping):
    B, C, H, W = input.shape
    info = plsc.get_sparse_core_info()
    num_cores = info.num_cores
    nw = info.num_cores * info.num_subcores
    planes = B * C
    per_w = planes // nw
    mesh = plsc.VectorSubcoreMesh(core_axis_name="c", subcore_axis_name="s")

    mask16 = jnp.broadcast_to(unit_mapping[0][:, None], (C, 16))

    @functools.partial(
        pl.kernel,
        mesh=mesh,
        out_type=jax.ShapeDtypeStruct((B, C, H, W), jnp.float32),
        scratch_types=[
            pltpu.VMEM((H, W), jnp.float32),
            pltpu.VMEM((16,), jnp.float32),
        ],
    )
    def sc_mul(x_hbm, m_hbm, o_hbm, plane_v, s_v):
        wid = lax.axis_index("s") * num_cores + lax.axis_index("c")

        def plane_body(i, carry):
            p = wid * per_w + i
            b = p // C
            c = p % C
            pltpu.sync_copy(x_hbm.at[b, c], plane_v)
            pltpu.sync_copy(m_hbm.at[c], s_v)
            s = s_v[...]

            def row_body(r, carry2):
                def col_body(j, carry3):
                    v = plane_v[r, pl.ds(j * 16, 16)]
                    plane_v[r, pl.ds(j * 16, 16)] = v * s
                    return carry3

                return lax.fori_loop(0, W // 16, col_body, carry2)

            lax.fori_loop(0, H, row_body, 0)
            pltpu.sync_copy(plane_v, o_hbm.at[b, c])
            return carry

        lax.fori_loop(0, per_w, plane_body, 0)

    return sc_mul(input, mask16)

# --- scband reference (transcript-rebuilt; emitter-appended) ---
"""Pipeline reference for scband-path-layer-6597069767470 (READ-ONLY COPY).

The authoritative reference and input builder live on the scoring server;
editing this copy changes nothing except your own understanding.
"""

import jax, jax.numpy as jnp
import numpy as np


def setup_inputs(seed: int = 0) -> dict:
    key = jax.random.key(seed)
    k1, k2 = jax.random.split(key)
    x = jax.random.normal(k1, (16, 96, 224, 224), dtype=jnp.float32)
    # learned parameter from __init__: unit_mapping of shape [task_count, unit_count]
    unit_mapping = jnp.ones((2, 96), dtype=jnp.float32)
    return {"input": x, "unit_mapping": unit_mapping}


def reference(input, unit_mapping):
    # PathLayer.forward with use_path=True and active_task=0 (default)
    active_task = 0
    idx = (jnp.ones((input.shape[0],)) * active_task).astype(jnp.int32)
    # torch.index_select(unit_mapping, 0, idx).unsqueeze(2).unsqueeze(3)
    mask = jnp.take(unit_mapping, idx, axis=0)[:, :, None, None]
    # input.data.mul_(mask) -> in-place broadcast multiply over channel dim
    return input * mask

if __name__ == "__main__":
    import jax
    _d = setup_inputs()
    print(jax.jit(kernel)(*tuple(_d.values())))

</pallas_src>

<mosaic_0001>
#map = affine_map<(d0, d1) -> (0, 0, 0, 0)>
#map1 = affine_map<(d0, d1) -> (0, 0)>
module attributes {stable_mosaic.version = 14 : i64} {
  func.func @sc_mul(%arg0: i32, %arg1: i32, %arg2: memref<16x96x224x224xf32, #tpu.memory_space<hbm>>, %arg3: memref<96x16xf32, #tpu.memory_space<hbm>>, %arg4: memref<16x96x224x224xf32, #tpu.memory_space<hbm>>, %arg5: memref<224x224xf32, #tpu.memory_space<vmem>>, %arg6: memref<16xf32, #tpu.memory_space<vmem>>) attributes {dimension_semantics = [#tpu.dimension_semantics<core_parallel>, #tpu.dimension_semantics<subcore_parallel>], iteration_bounds = array<i64: 2, 16>, scalar_prefetch = 0 : i64, scratch_operands = 2 : i64, tpu.core_type = #tpu.core_type<sc_vector_subcore>, window_params = [{transform_indices = #map}, {transform_indices = #map1}, {transform_indices = #map}]} {
    %mul3A = arith.constant 2 : i32
    %mul3A_0 = arith.muli %arg1, %mul3A : i32
    %add3A = arith.addi %mul3A_0, %arg0 : i32
    %scan3A = arith.constant 0 : i32
    %scan3A_1 = arith.constant 0 : i32
    %scan3A_2 = arith.constant 48 : i32
    %scan3A_3 = arith.addi %scan3A_1, %scan3A_2 : i32
    %scan3A_4 = arith.constant 1 : i32
    scf.for %scan3A_6 = %scan3A_1 to %scan3A_3 step %scan3A_4  : i32 {
      %mul3A_7 = arith.constant 48 : i32
      %mul3A_8 = arith.muli %add3A, %mul3A_7 : i32
      %add3A_9 = arith.addi %mul3A_8, %scan3A_6 : i32
      %jit3A = arith.constant 96 : i32
      %div3A = arith.divsi %add3A_9, %jit3A : i32
      %sign3A = arith.constant 0 : i32
      %sign3A_10 = arith.cmpi sgt, %add3A_9, %sign3A : i32
      %sign3A_11 = arith.extui %sign3A_10 : i1 to i32
      %sign3A_12 = arith.constant 0 : i32
      %sign3A_13 = arith.cmpi slt, %add3A_9, %sign3A_12 : i32
      %sign3A_14 = arith.extui %sign3A_13 : i1 to i32
      %sign3A_15 = arith.subi %sign3A_11, %sign3A_14 : i32
      %sign3A_16 = arith.constant 0 : i32
      %sign3A_17 = arith.cmpi sgt, %jit3A, %sign3A_16 : i32
      %sign3A_18 = arith.extui %sign3A_17 : i1 to i32
      %sign3A_19 = arith.constant 0 : i32
      %sign3A_20 = arith.cmpi slt, %jit3A, %sign3A_19 : i32
      %sign3A_21 = arith.extui %sign3A_20 : i1 to i32
      %sign3A_22 = arith.subi %sign3A_18, %sign3A_21 : i32
      %ne3A = arith.cmpi ne, %sign3A_15, %sign3A_22 : i32
      %rem3A = arith.remsi %add3A_9, %jit3A : i32
      %ne3A_23 = arith.constant 0 : i32
      %ne3A_24 = arith.cmpi ne, %rem3A, %ne3A_23 : i32
      %and3A = arith.andi %ne3A, %ne3A_24 : i1
      %sub3A = arith.constant 1 : i32
      %sub3A_25 = arith.subi %div3A, %sub3A : i32
      %select_n3A = arith.select %and3A, %sub3A_25, %div3A : i32
      %jit3A_26 = arith.constant 96 : i32
      %eq3A = arith.constant 0 : i32
      %eq3A_27 = arith.cmpi eq, %jit3A_26, %eq3A : i32
      %jit3A_28 = arith.constant 1 : i32
      %select_n3A_29 = arith.select %eq3A_27, %jit3A_28, %jit3A_26 : i32
      %rem3A_30 = arith.remsi %add3A_9, %select_n3A_29 : i32
      %ne3A_31 = arith.constant 0 : i32
      %ne3A_32 = arith.cmpi ne, %rem3A_30, %ne3A_31 : i32
      %lt3A = arith.constant 0 : i32
      %lt3A_33 = arith.cmpi slt, %rem3A_30, %lt3A : i32
      %lt3A_34 = arith.constant 0 : i32
      %lt3A_35 = arith.cmpi slt, %select_n3A_29, %lt3A_34 : i32
      %ne3A_36 = arith.xori %lt3A_33, %lt3A_35 : i1
      %and3A_37 = arith.andi %ne3A_36, %ne3A_32 : i1
      %add3A_38 = arith.addi %rem3A_30, %select_n3A_29 : i32
      %select_n3A_39 = arith.select %and3A_37, %add3A_38, %rem3A_30 : i32
      "tpu.region"() ({
        %run_scoped3A = tpu.sem_alloc : memref<!tpu.dma_semaphore, #tpu.memory_space<semaphore_mem>>
        %dma_start3A = arith.constant 0 : i32
        %dma_start3A_48 = arith.constant 0 : i32
        %dma_start3A_49 = tpu.memref_slice %arg2[%select_n3A, %select_n3A_39, %dma_start3A, %dma_start3A_48] : memref<16x96x224x224xf32, #tpu.memory_space<hbm>> -> memref<1x1x224x224xf32, #tpu.memory_space<hbm>>
        %dma_start3A_50 = tpu.memref_squeeze %dma_start3A_49 : memref<1x1x224x224xf32, #tpu.memory_space<hbm>> -> memref<224x224xf32, #tpu.memory_space<hbm>>
        %dma_start3A_51 = arith.constant 0 : i32
        %dma_start3A_52 = arith.constant 0 : i32
        %dma_start3A_53 = tpu.memref_slice %arg2[%select_n3A, %select_n3A_39, %dma_start3A_51, %dma_start3A_52] : memref<16x96x224x224xf32, #tpu.memory_space<hbm>> -> memref<1x1x224x224xf32, #tpu.memory_space<hbm>>
        %dma_start3A_54 = tpu.memref_squeeze %dma_start3A_53 : memref<1x1x224x224xf32, #tpu.memory_space<hbm>> -> memref<224x224xf32, #tpu.memory_space<hbm>>
        tpu.enqueue_dma source(%dma_start3A_54 : memref<224x224xf32, #tpu.memory_space<hbm>>) target(%arg5 : memref<224x224xf32, #tpu.memory_space<vmem>>) target_semaphore(%run_scoped3A : memref<!tpu.dma_semaphore, #tpu.memory_space<semaphore_mem>>)
        %dma_wait3A = arith.constant 0 : i32
        %dma_wait3A_55 = arith.constant 0 : i32
        %dma_wait3A_56 = tpu.memref_slice %arg2[%select_n3A, %select_n3A_39, %dma_wait3A, %dma_wait3A_55] : memref<16x96x224x224xf32, #tpu.memory_space<hbm>> -> memref<1x1x224x224xf32, #tpu.memory_space<hbm>>
        %dma_wait3A_57 = tpu.memref_squeeze %dma_wait3A_56 : memref<1x1x224x224xf32, #tpu.memory_space<hbm>> -> memref<224x224xf32, #tpu.memory_space<hbm>>
        %dma_wait3A_58 = arith.constant 0 : i32
        %dma_wait3A_59 = arith.constant 0 : i32
        %dma_wait3A_60 = tpu.memref_slice %arg2[%select_n3A, %select_n3A_39, %dma_wait3A_58, %dma_wait3A_59] : memref<16x96x224x224xf32, #tpu.memory_space<hbm>> -> memref<1x1x224x224xf32, #tpu.memory_space<hbm>>
        %dma_wait3A_61 = tpu.memref_squeeze %dma_wait3A_60 : memref<1x1x224x224xf32, #tpu.memory_space<hbm>> -> memref<224x224xf32, #tpu.memory_space<hbm>>
        tpu.wait_dma2 semaphore(%run_scoped3A : memref<!tpu.dma_semaphore, #tpu.memory_space<semaphore_mem>>) src(%dma_wait3A_61 : memref<224x224xf32, #tpu.memory_space<hbm>>) dst(%arg5 : memref<224x224xf32, #tpu.memory_space<vmem>>)
        tpu.yield
      }) : () -> ()
      "tpu.region"() ({
        %run_scoped3A = tpu.sem_alloc : memref<!tpu.dma_semaphore, #tpu.memory_space<semaphore_mem>>
        %dma_start3A = arith.constant 0 : i32
        %dma_start3A_48 = tpu.memref_slice %arg3[%select_n3A_39, %dma_start3A] : memref<96x16xf32, #tpu.memory_space<hbm>> -> memref<1x16xf32, #tpu.memory_space<hbm>>
        %dma_start3A_49 = tpu.memref_squeeze %dma_start3A_48 : memref<1x16xf32, #tpu.memory_space<hbm>> -> memref<16xf32, #tpu.memory_space<hbm>>
        %dma_start3A_50 = arith.constant 0 : i32
        %dma_start3A_51 = tpu.memref_slice %arg3[%select_n3A_39, %dma_start3A_50] : memref<96x16xf32, #tpu.memory_space<hbm>> -> memref<1x16xf32, #tpu.memory_space<hbm>>
        %dma_start3A_52 = tpu.memref_squeeze %dma_start3A_51 : memref<1x16xf32, #tpu.memory_space<hbm>> -> memref<16xf32, #tpu.memory_space<hbm>>
        tpu.enqueue_dma source(%dma_start3A_52 : memref<16xf32, #tpu.memory_space<hbm>>) target(%arg6 : memref<16xf32, #tpu.memory_space<vmem>>) target_semaphore(%run_scoped3A : memref<!tpu.dma_semaphore, #tpu.memory_space<semaphore_mem>>)
        %dma_wait3A = arith.constant 0 : i32
        %dma_wait3A_53 = tpu.memref_slice %arg3[%select_n3A_39, %dma_wait3A] : memref<96x16xf32, #tpu.memory_space<hbm>> -> memref<1x16xf32, #tpu.memory_space<hbm>>
        %dma_wait3A_54 = tpu.memref_squeeze %dma_wait3A_53 : memref<1x16xf32, #tpu.memory_space<hbm>> -> memref<16xf32, #tpu.memory_space<hbm>>
        %dma_wait3A_55 = arith.constant 0 : i32
        %dma_wait3A_56 = tpu.memref_slice %arg3[%select_n3A_39, %dma_wait3A_55] : memref<96x16xf32, #tpu.memory_space<hbm>> -> memref<1x16xf32, #tpu.memory_space<hbm>>
        %dma_wait3A_57 = tpu.memref_squeeze %dma_wait3A_56 : memref<1x16xf32, #tpu.memory_space<hbm>> -> memref<16xf32, #tpu.memory_space<hbm>>
        tpu.wait_dma2 semaphore(%run_scoped3A : memref<!tpu.dma_semaphore, #tpu.memory_space<semaphore_mem>>) src(%dma_wait3A_57 : memref<16xf32, #tpu.memory_space<hbm>>) dst(%arg6 : memref<16xf32, #tpu.memory_space<vmem>>)
        tpu.yield
      }) : () -> ()
      %get3A = arith.constant 0 : index
      %get3A_40 = tpu.vector_load %arg6[%get3A] {strides = array<i32>} : memref<16xf32, #tpu.memory_space<vmem>>, vector<16xf32>,
      %get3A_41 = vector.shape_cast %get3A_40 : vector<16xf32> to vector<16xf32>
      %scan3A_42 = arith.constant 0 : i32
      %scan3A_43 = arith.constant 0 : i32
      %scan3A_44 = arith.constant 224 : i32
      %scan3A_45 = arith.addi %scan3A_43, %scan3A_44 : i32
      %scan3A_46 = arith.constant 1 : i32
      scf.for %scan3A_48 = %scan3A_43 to %scan3A_45 step %scan3A_46  : i32 {
        %scan3A_49 = arith.constant 0 : i32
        %scan3A_50 = arith.constant 14 : i32
        %scan3A_51 = arith.addi %scan3A_49, %scan3A_50 : i32
        %scan3A_52 = arith.constant 1 : i32
        scf.for %scan3A_54 = %scan3A_49 to %scan3A_51 step %scan3A_52  : i32 {
          %mul3A_55 = arith.constant 16 : i32
          %mul3A_56 = arith.muli %scan3A_54, %mul3A_55 : i32
          %get3A_57 = arith.index_cast %scan3A_48 : i32 to index
          %get3A_58 = arith.index_cast %mul3A_56 : i32 to index
          %get3A_59 = tpu.vector_load %arg5[%get3A_57, %get3A_58] {strides = array<i32>} : memref<224x224xf32, #tpu.memory_space<vmem>>, vector<1x16xf32>,
          %get3A_60 = vector.shape_cast %get3A_59 : vector<1x16xf32> to vector<16xf32>
          %mul3A_61 = arith.mulf %get3A_60, %get3A_41 : vector<16xf32>
          %mul3A_62 = arith.constant 16 : i32
          %mul3A_63 = arith.muli %scan3A_54, %mul3A_62 : i32
          %swap3A = arith.index_cast %scan3A_48 : i32 to index
          %swap3A_64 = arith.index_cast %mul3A_63 : i32 to index
          %swap3A_65 = tpu.vector_load %arg5[%swap3A, %swap3A_64] {strides = array<i32>} : memref<224x224xf32, #tpu.memory_space<vmem>>, vector<1x16xf32>,
          %swap3A_66 = vector.shape_cast %swap3A_65 : vector<1x16xf32> to vector<16xf32>
          %swap3A_67 = vector.shape_cast %mul3A_61 : vector<16xf32> to vector<1x16xf32>
          tpu.vector_store %arg5[%swap3A, %swap3A_64], %swap3A_67 {strides = array<i32>} : memref<224x224xf32, #tpu.memory_space<vmem>>, vector<1x16xf32>,
        }
        %scan3A_53 = arith.constant 14 : i32
      }
      %scan3A_47 = arith.constant 224 : i32
      "tpu.region"() ({
        %run_scoped3A = tpu.sem_alloc : memref<!tpu.dma_semaphore, #tpu.memory_space<semaphore_mem>>
        %dma_start3A = arith.constant 0 : i32
        %dma_start3A_48 = arith.constant 0 : i32
        %dma_start3A_49 = tpu.memref_slice %arg4[%select_n3A, %select_n3A_39, %dma_start3A, %dma_start3A_48] : memref<16x96x224x224xf32, #tpu.memory_space<hbm>> -> memref<1x1x224x224xf32, #tpu.memory_space<hbm>>
        %dma_start3A_50 = tpu.memref_squeeze %dma_start3A_49 : memref<1x1x224x224xf32, #tpu.memory_space<hbm>> -> memref<224x224xf32, #tpu.memory_space<hbm>>
        %dma_start3A_51 = arith.constant 0 : i32
        %dma_start3A_52 = arith.constant 0 : i32
        %dma_start3A_53 = tpu.memref_slice %arg4[%select_n3A, %select_n3A_39, %dma_start3A_51, %dma_start3A_52] : memref<16x96x224x224xf32, #tpu.memory_space<hbm>> -> memref<1x1x224x224xf32, #tpu.memory_space<hbm>>
        %dma_start3A_54 = tpu.memref_squeeze %dma_start3A_53 : memref<1x1x224x224xf32, #tpu.memory_space<hbm>> -> memref<224x224xf32, #tpu.memory_space<hbm>>
        tpu.enqueue_dma source(%arg5 : memref<224x224xf32, #tpu.memory_space<vmem>>) target(%dma_start3A_54 : memref<224x224xf32, #tpu.memory_space<hbm>>) target_semaphore(%run_scoped3A : memref<!tpu.dma_semaphore, #tpu.memory_space<semaphore_mem>>)
        %dma_wait3A = arith.constant 0 : i32
        %dma_wait3A_55 = arith.constant 0 : i32
        %dma_wait3A_56 = tpu.memref_slice %arg4[%select_n3A, %select_n3A_39, %dma_wait3A, %dma_wait3A_55] : memref<16x96x224x224xf32, #tpu.memory_space<hbm>> -> memref<1x1x224x224xf32, #tpu.memory_space<hbm>>
        %dma_wait3A_57 = tpu.memref_squeeze %dma_wait3A_56 : memref<1x1x224x224xf32, #tpu.memory_space<hbm>> -> memref<224x224xf32, #tpu.memory_space<hbm>>
        %dma_wait3A_58 = arith.constant 0 : i32
        %dma_wait3A_59 = arith.constant 0 : i32
        %dma_wait3A_60 = tpu.memref_slice %arg4[%select_n3A, %select_n3A_39, %dma_wait3A_58, %dma_wait3A_59] : memref<16x96x224x224xf32, #tpu.memory_space<hbm>> -> memref<1x1x224x224xf32, #tpu.memory_space<hbm>>
        %dma_wait3A_61 = tpu.memref_squeeze %dma_wait3A_60 : memref<1x1x224x224xf32, #tpu.memory_space<hbm>> -> memref<224x224xf32, #tpu.memory_space<hbm>>
        tpu.wait_dma2 semaphore(%run_scoped3A : memref<!tpu.dma_semaphore, #tpu.memory_space<semaphore_mem>>) src(%arg5 : memref<224x224xf32, #tpu.memory_space<vmem>>) dst(%dma_wait3A_61 : memref<224x224xf32, #tpu.memory_space<hbm>>)
        tpu.yield
      }) : () -> ()
    }
    %scan3A_5 = arith.constant 48 : i32
    return
  }
}

</mosaic_0001>

<sc_bundles>
// kernel: kernel.3.cloned.1.call-start
scs
__scs_entry_jumppad:
0x0: {  	(pc) =	sbr.rel $0x88, $3  }
0x1: {  	(tag) =	ssettag $0x0;
	lr =	simm.s32 $0x1  }
0x2: {  	[smem:$0x3F9F] =	sst lr;
	_ =	strace $0xD0000000  }
0x3: {  	_ = 	snop  }
0x4: {  	_ = 	snop  }
0x5: {  	_ = 	snop  }
0x6: {  	_ = 	snop  }
0x7: {  	_ = 	snop  }
__scs_overlays_trampoline_lowered:
0x8: {  	[smem:$0x3FAE] =	sst s0  }
0x9: {  	[smem:$0x3FAF] =	sst s1  }
0xa: {  	[smem:$0x3FB0] =	sst s2  }
0xb: {  	[smem:$0x3FB1] =	sst s3  }
0xc: {  	[smem:$0x3FB2] =	sst s4  }
0xd: {  	[smem:$0x3FB3] =	sst s5  }
0xe: {  	[smem:$0x3FB4] =	sst s6  }
0xf: {  	[smem:$0x3FB5] =	sst s7  }
0x10: {  	[smem:$0x3FB6] =	sst s8  }
0x11: {  	[smem:$0x3FB7] =	sst s9;
	s0 =	simm.s32 @!p0 $0x0  }
0x12: {  	s1 =	sld [smem:$0x3F9D];
	s0 =	simm.s32 @p0 $0x1  }
0x13: {  	[smem:$0x3FB8] =	sst s0;
	s0 =	simm.s32 @!p1 $0x0  }
0x14: {  	s2 =	sld [smem:$0x3F9C];
	s0 =	simm.s32 @p1 $0x1  }
0x15: {  	[smem:$0x3FB9] =	sst s0;
	s0 =	simm.s32 @!p2 $0x0  }
0x16: {  	s3 =	sld [smem:$0x3FDB];
	s0 =	simm.s32 @p2 $0x1  }
0x17: {  	s4 =	simm.s32 $0x1BF5;
	[smem:$0x3FBB] =	sst s0  }
0x18: {  	s0 =	sld [smem:$0x3F9E];
	_ =	swait.ge [sflag:s4], $0x0  }
0x19: {  	s7 =	sld [smem:$0x3F9F]  }
0x1a: {  	s8 =	sadd.s32 $0xFFFFE003, lr  }
0x1b: {  	s9 =	sadd.s32 $0xFFFFFEF7, lr;
	s5 =	simm.s32 $0xFFFFFFFF;
	p2 =	slt.u32 s8, $0xFFFFF086  }
0x1c: {  	p1 =	slt.u32 s9, $0xF7A;
	s5 =	simm.s32 @!p2 $0x0  }
0x1d: {  	s5 =	simm.s32 @p1 $0x1;
	p0 =	seq.s32 s7, s2  }
0x1e: {  	s7 =	smul.u32 @!p0 $0xF7A, s2;
	p2 =	seq.s32 @!p0 s5, $0x0  }
0x1f: {  	s9 =	smul.u32 $0xF7A, s1;
	s8 =	simm.s32 @!p0 $0x1BF5;
	p2 =	por !p2, p0  }
0x20: {  	[sflag:s8] =	ssyncset.s32 @!p0 $0xFFFFF086;
	s6 =	sadd.s32 @!p0 s3, s7;
	s7 =	simm.s32 @!p0 $0x108  }
0x21: {  	s3 =	sadd.s32 s3, s9;
	s6 =	sadd.s32 @!p0 $0x88, s6;
	s7 =	simm.s32 @p2 $0x1082  }
0x22: {  	[simem:s7], [sflag:s8] =	dma.local @!p0 [hbm:s6], $0xF7A  }
0x23: {  	s9 =	sor.u32 $0xD0000000, s2;
	s6 =	simm.s32 $0x108;
	_ =	swait.ge @!p0 [sflag:s8], $0x0  }
0x24: {  	s3 =	sadd.s32 $0x88, s3;
	s6 =	simm.s32 @!p1 $0x1082;
	[sflag:s4] =	ssyncset.s32 $0xFFFFF086  }
0x25: {  	[simem:s6], [sflag:s4] =	dma.local [hbm:s3], $0xF7A  }
0x26: {  	[smem:$0x3F9F] =	sst s1;
	(tag) =	ssettag s2;
	_ =	strace s9  }
0x27: {  	s1 =	sld [smem:$0x3FAF]  }
0x28: {  	s2 =	sld [smem:$0x3FB0]  }
0x29: {  	s4 =	sld [smem:$0x3FB2]  }
0x2a: {  	p0 =	seq.s32 s5, $0x0;
	s5 =	sld [smem:$0x3FB3]  }
0x2b: {  	s6 =	sld [smem:$0x3FB4]  }
0x2c: {  	s7 =	sld [smem:$0x3FB5]  }
0x2d: {  	s3 =	simm.s32 $0x108;
	s8 =	sld [smem:$0x3FB6]  }
0x2e: {  	s3 =	simm.s32 @!p0 $0x1082;
	s9 =	sld [smem:$0x3FB7]  }
0x2f: {  	lr =	sadd.s32 s0, s3;
	s0 =	sld [smem:$0x3FAE]  }
0x30: {  	s3 =	sld [smem:$0x3FB1]  }
0x31: {  	[smem:$0x3FBA] =	sst s10  }
0x32: {  	s10 =	sld [smem:$0x3FB8];
	_ =	sdelay $0x3  }
0x33: {  	p0 =	seq.s32 s10, $0x1;
	s10 =	sld [smem:$0x3FBA];
	_ =	sdelay $0x3  }
0x34: {  	[smem:$0x3FBA] =	sst s10  }
0x35: {  	s10 =	sld [smem:$0x3FB9];
	_ =	sdelay $0x3  }
0x36: {  	p1 =	seq.s32 s10, $0x1;
	s10 =	sld [smem:$0x3FBA];
	_ =	sdelay $0x3  }
0x37: {  	[smem:$0x3FBA] =	sst s10  }
0x38: {  	s10 =	sld [smem:$0x3FBB]  }
0x39: {  	_ = 	snop;
	(pc) =	sbr.ind lr, $3  }
0x3a: {  	_ = 	snop  }
0x3b: {  	_ = 	snop  }
0x3c: {  	p2 =	seq.s32 s10, $0x1;
	s10 =	sld [smem:$0x3FBA]  }
0x3d: {  	_ =	shalt  }
0x3e: {  	_ =	shalt  }
0x3f: {  	_ =	shalt  }
0x40: {  	_ =	shalt  }
0x41: {  	_ =	shalt  }
0x42: {  	_ =	shalt  }
0x43: {  	_ =	shalt  }
0x44: {  	_ =	shalt  }
0x45: {  	_ =	shalt  }
0x46: {  	_ =	shalt  }
0x47: {  	_ =	shalt  }
0x48: {  	_ =	shalt  }
0x49: {  	_ =	shalt  }
0x4a: {  	_ =	shalt  }
0x4b: {  	_ =	shalt  }
0x4c: {  	_ =	shalt  }
0x4d: {  	_ =	shalt  }
0x4e: {  	_ =	shalt  }
0x4f: {  	_ =	shalt  }
0x50: {  	_ =	shalt  }
0x51: {  	_ =	shalt  }
0x52: {  	_ =	shalt  }
0x53: {  	_ =	shalt  }
0x54: {  	_ =	shalt  }
0x55: {  	_ =	shalt  }
0x56: {  	_ =	shalt  }
0x57: {  	_ =	shalt  }
0x58: {  	_ =	shalt  }
0x59: {  	_ =	shalt  }
0x5a: {  	_ =	shalt  }
0x5b: {  	_ =	shalt  }
0x5c: {  	_ =	shalt  }
0x5d: {  	_ =	shalt  }
0x5e: {  	_ =	shalt  }
0x5f: {  	_ =	shalt  }
0x60: {  	_ =	shalt  }
0x61: {  	_ =	shalt  }
0x62: {  	_ =	shalt  }
0x63: {  	_ =	shalt  }
0x64: {  	_ =	shalt  }
0x65: {  	_ =	shalt  }
0x66: {  	_ =	shalt  }
0x67: {  	_ =	shalt  }
0x68: {  	_ =	shalt  }
0x69: {  	_ =	shalt  }
0x6a: {  	_ =	shalt  }
0x6b: {  	_ =	shalt  }
0x6c: {  	_ =	shalt  }
0x6d: {  	_ =	shalt  }
0x6e: {  	_ =	shalt  }
0x6f: {  	_ =	shalt  }
0x70: {  	_ =	shalt  }
0x71: {  	_ =	shalt  }
0x72: {  	_ =	shalt  }
0x73: {  	_ =	shalt  }
0x74: {  	_ =	shalt  }
0x75: {  	_ =	shalt  }
0x76: {  	_ =	shalt  }
0x77: {  	_ =	shalt  }
0x78: {  	_ =	shalt  }
0x79: {  	_ =	shalt  }
0x7a: {  	_ =	shalt  }
0x7b: {  	_ =	shalt  }
0x7c: {  	_ =	shalt  }
0x7d: {  	_ =	shalt  }
0x7e: {  	_ =	shalt  }
0x7f: {  	_ =	shalt  }
0x80: {  	_ =	shalt  }
0x81: {  	_ =	shalt  }
0x82: {  	_ =	shalt  }
0x83: {  	_ =	shalt  }
0x84: {  	_ =	shalt  }
0x85: {  	_ =	shalt  }
0x86: {  	_ =	shalt  }
0x87: {  	_ =	shalt  }
.Lfunc_end0:
.L_simem_size_0:
called_computation_lowered:
.L_overlay_start_0:
0x88: {  	s2 =	sld [smem:$0x3FD9]  }
0x89: {  	s3 =	sld [smem:$0x3FFE];
	_ =	sdelay $0x1  }
0x8a: {  	s1 =	srdreg.scid  }
0x8b: {  	s0 =	sand.u32 $0x1, s1  }
0x8c: {  	s17 =	sshll.u32 s0, $0xA;
	s2 =	sadd.s32 s3, s2  }
0x8d: {  	s2 =	sadd.s32 s2, s17  }
0x8e: {  	[smem:$0x3FC6] =	sst s2  }
0x8f: {  	_ = 	snop  }
0x90: {  	s2 =	sld [smem:$0x3FC9]  }
0x91: {  	s18 =	sld [smem:$0x3FD0];
	(tm) =	ssettm $0x1  }
0x92: {  	s4 =	sld [smem:$0x3FFB];
	_ =	sdelay $0x3  }
0x93: {  	_ =	strace s4  }
0x94: {  	s4 =	sld [smem:$0x3FFC];
	_ =	sdelay $0x3  }
0x95: {  	_ =	strace s4  }
0x96: {  	s4 =	sld [smem:$0x3FFD];
	_ =	sdelay $0x3  }
0x97: {  	_ =	strace s4  }
0x98: {  	_ =	strace $0x8FFFFFFF  }
0x99: {  	s19 =	sld [smem:$0x3FDB];
	_ =	sdelay $0x1  }
0x9a: {  	s5 =	simm.s32 $_scs_section_size  }
0x9b: {  	s6 =	simm.s32 $_size__tile_overlayer_lowered;
	s7 =	simm.s32 $_tile_overlayer_lowered  }
0x9c: {  	s22 =	simm.s32 $0x1BFF;
	s21 =	sshll.u32 s7, $0x1;
	s4 =	sadd.s32 s5, s19  }
0x9d: {  	s8 =	simm.s32 $0x0;
	s20 =	sshll.u32 s6, $0x1;
	s6 =	sadd.s32 s21, s4  }
0x9e: {  	[timem:s8], [sflag:s22] =	dma.local [hbm:s6], s20  }
0x9f: {  	_ =	swait.ge [sflag:s22], s20  }
0xa0: {  	s5 =	ssub.s32 $0x0, s20;
	[sflag:s22] =	ssyncset.done $0x0  }
0xa1: {  	[sflag:s22] =	ssyncadd.s32 s5;
	_ =	sdelay $0x1  }
0xa2: {  	s23 =	simm.s32 $0x1B8B  }
0xa3: {  	_ =	swait.ge [sflag:s23], $0x1  }
0xa4: {  	[sflag:s23] =	ssyncset.done $0x0  }
0xa5: {  	s25 =	simm.s32 $0x1B8E;
	s24 =	sld [smem:$0x3FFE];
	[sflag:s23] =	ssyncadd.s32 $0xFFFFFFFF  }
0xa6: {  	s26 =	simm.s32 $execute0_lowered;
	[smem:$0x3FD2] =	sst s25  }
0xa7: {  	s6 =	sshll.u32 s26, $0x1;
	_ =	strace $0x80000046;
	[dreg:$0x1] =	wrdreg $0xFFFFFFFF  }
0xa8: {  	s28 =	simm.s32 $_size_execute0_lowered;
	s4 =	sadd.s32 s4, s6;
	[dreg:$0x0] =	wrdreg $0x0  }
0xa9: {  	s6 =	sshll.u32 s28, $0x1;
	[dreg:$0x2] =	wrdreg s4  }
0xaa: {  	[dreg:$0x3] =	wrdreg s6  }
0xab: {  	[dreg:$0x4] =	wrdreg $0xC0  }
0xac: {  	_ =	task [dreg:s8], $0x5FFFF  }
0xad: {  	[dreg:$0x1] =	wrdreg $0xFFFFFFFF  }
0xae: {  	[dreg:$0x0] =	wrdreg $0x60  }
0xaf: {  	[dreg:$0x2] =	wrdreg s2  }
0xb0: {  	[dreg:$0x3] =	wrdreg s24  }
0xb1: {  	[dreg:$0x4] =	wrdreg s18  }
0xb2: {  	[dreg:$0x5] =	wrdreg $0x9  }
0xb3: {  	_ =	task.clear_ibuf [dreg:s8], $0x6FFFF;
	_ =	strace $0x90000046  }
0xb4: {  	s29 =	simm.s32 $0x9;
	_ =	strace $0x80000048  }
0xb5: {  	_ =	swait.ge [sflag:s29], $0x1  }
0xb6: {  	[sflag:s29] =	ssyncadd.s32 $0xFFFFFFFF  }
0xb7: {  	_ =	strace $0x90000048  }
0xb8: {  	_ =	sfence  }
0xb9: {  	s30 =	sld [smem:$0x0];
	_ =	sdelay $0x2  }
0xba: {  	s31 =	sshll.u32 s1, $0xD;
	s1 =	sshrl.u32 s1, $0x2  }
0xbb: {  	s3 =	sand.u32 $0x4000, s31;
	s1 =	sadd.s32 s1, s30  }
0xbc: {  	s0 =	sor.u32 s3, s0;
	s1 =	sshll.u32 s1, $0x11  }
0xbd: {  	s0 =	sor.u32 s1, s0  }
0xbe: {  	s0 =	sadd.s32 $0x8F2B, s0  }
0xbf: {  	[sflag:s0] =	ssyncadd.remote.s32 $0x1  }
0xc0: {  	_ =	sfence.sel $0xFFFF  }
0xc1: {  	[dreg:$0x0] =	wrdreg $0xFFFFFFFF;
	(pc) =	sbr.abs _section_cstart, $3  }
0xc2: {  	[dreg:$0x1] =	wrdreg $0xFFFFFFFF  }
0xc3: {  	_ =	task.clear_ibuf [dreg:s8], $0x2FFFF;
	_ =	strace $0x9FFFFFFF  }
0xc4: {  	(tm) =	ssettm $0x7FFFFFFF  }
0xc5: {  	_ =	shalt  }
tec
execute0_lowered:
.L_overlay_start_1:
0x0: {  	(tag) =	ssettag $0x1  }
0x1: {  	s1 =	rddreg [dreg:$0x0]  }
0x2: {  	s5 =	rddreg [dreg:$0x1]  }
0x3: {  	s2 =	rddreg [dreg:$0x2]  }
0x4: {  	s3 =	srdreg.scid;
	s0 =	rddreg [dreg:$0x3];
	s4 =	simm.s32 $0x0  }
0x5: {  	s10 =	simm.s32 $0x0;
	s6 =	sand.u32 $0x1, s3;
	s3 =	stileid.u32  }
0x6: {  	[smem:$0x7FF] =	sst s4;
	s5 =	sadd.s32 $0x400, s5;
	s7 =	ssub.s32 $0x2, s6  }
0x7: {  	s9 =	sshll.u32 s3, $0x1;
	_ =	strace $0x80000047;
	s8 =	sshrl.u32 s7, $0x1  }
0x8: {  	s6 =	sor.u32 s6, s9;
	s9 =	simm.s32 $0xE000;
	s7 =	ssub.s32 s7, s8  }
0x9: {  	s6 =	smul.u32 $0x30, s6;
	s8 =	simm.s32 $0x1;
	s7 =	smax.u32 s7, $0x1  }
.LBB2_1:
0xa: {  	s11 =	simm.s32 $0x0  }
.LBB2_2:
0xb: {  	s12 =	sadd.s32 s6, s11  }
0xc: {  	s13 =	smulhi.u32 $0xAAAAAAAB, s12;
	_ =	sdelay $0x1  }
0xd: {  	s13 =	sshrl.u32 s13, $0x6  }
0xe: {  	s14 =	smul.u32 $0x60, s13;
	_ =	sdelay $0x1  }
0xf: {  	s13 =	smul.u32 $0x540000, s13;
	s14 =	ssub.s32 s12, s14  }
0x10: {  	s12 =	smul.u32 $0xE000, s14;
	_ =	sdelay $0x1  }
0x11: {  	s12 =	sadd.s32 s12, s13  }
0x12: {  	s12 =	sshrl.u32 s12, $0x3  }
0x13: {  	s15 =	simm.s32 $0x0;
	s28 =	sadd.s32 s1, s12  }
0x14: {  	[tilespmem:s15], [sflag:$0x1] =	stream.linear.gather [hbm4b:s28+s15], $0xE000, $0x38;
	[tilespmem:$0xE080] =	vst v63  }
0x15: {  	_ =	swait.ge [sflag:s8], $0xE000  }
0x16: {  	s29 =	sshll.u32 s14, $0x4;
	[sflag:s8] =	ssyncset.done $0x0  }
0x17: {  	s13 =	sadd.s32 s5, s29;
	[sflag:s8] =	ssyncadd.s32 $0xFFFF2000  }
0x18: {  	[tilespmem:s9], [sflag:$0x1] =	stream.linear.gather [hbm4b:s13+s15], $0x80, $0x38;
	[tilespmem:$0xE080] =	vst v63  }
0x19: {  	_ =	swait.ge [sflag:s8], $0x80  }
0x1a: {  	[sflag:s8] =	ssyncset.done $0x0  }
0x1b: {  	s30 =	sand.u32 $0xF800, s15;
	s31 =	sand.u32 $0x380, s15;
	[sflag:s8] =	ssyncadd.s32 $0xFFFFFF80  }
0x1c: {  	s13 =	sor.u32 s31, s30;
	v0 =	vld [tilespmem:$0xE000]  }
0x1d: {  	v1 =	vld [tilespmem:s13+$0x0]  }
0x1e: {  	v2 =	vld [tilespmem:s13+$0x10]  }
0x1f: {  	v3 =	vld [tilespmem:s13+$0x20]  }
0x20: {  	v5 =	vld [tilespmem:s13+$0x30]  }
0x21: {  	v6 =	vld [tilespmem:s13+$0x40]  }
0x22: {  	v7 =	vld [tilespmem:s13+$0x50];
	v1 =	vmul.f32 v1, v0  }
0x23: {  	v8 =	vld [tilespmem:s13+$0x60];
	v2 =	vmul.f32 v2, v0  }
0x24: {  	v4 =	vld [tilespmem:s13+$0x70];
	[tilespmem:s13+$0x0] =	vst v1;
	v1 =	vmul.f32 v3, v0  }
0x25: {  	[tilespmem:s13+$0x10] =	vst v2;
	v2 =	vmul.f32 v5, v0;
	v3 =	vld [tilespmem:s13+$0x400]  }
0x26: {  	v5 =	vmul.f32 v6, v0;
	[tilespmem:s13+$0x20] =	vst v1;
	v1 =	vld [tilespmem:s13+$0x410]  }
0x27: {  	v7 =	vmul.f32 v7, v0;
	[tilespmem:s13+$0x30] =	vst v2;
	v2 =	vld [tilespmem:s13+$0x420]  }
0x28: {  	s14 =	simm.s32 $0x80;
	s15 =	simm.s32 $0x100;
	v6 =	vmul.f32 v8, v0;
	[tilespmem:s13+$0x40] =	vst v5;
	v5 =	vld [tilespmem:s13+$0x430]  }
.LBB2_3:
0x29: {  	s16 =	sand.u32 $0xF800, s15;
	s17 =	sand.u32 $0x380, s14;
	p0 =	sne.s32 s15, $0xDF00;
	[tilespmem:s13+$0x50] =	vst v7;
	v4 =	vmul.f32 v4, v0;
	v7 =	vld [tilespmem:s13+$0x440]  }
0x2a: {  	s16 =	sor.u32 s17, s16;
	[tilespmem:s13+$0x60] =	vst v6;
	v3 =	vmul.f32 v3, v0;
	v6 =	vld [tilespmem:s13+$0x450]  }
0x2b: {  	v8 =	vld [tilespmem:s16+$0x0];
	[tilespmem:s13+$0x70] =	vst v4;
	v1 =	vmul.f32 v1, v0  }
0x2c: {  	v4 =	vld [tilespmem:s16+$0x10];
	[tilespmem:s13+$0x400] =	vst v3;
	v2 =	vmul.f32 v2, v0  }
0x2d: {  	v3 =	vld [tilespmem:s16+$0x20];
	[tilespmem:s13+$0x410] =	vst v1;
	v1 =	vmul.f32 v5, v0  }
0x2e: {  	v5 =	vld [tilespmem:s16+$0x30];
	[tilespmem:s13+$0x420] =	vst v2;
	v2 =	vmul.f32 v7, v0  }
0x2f: {  	v7 =	vld [tilespmem:s16+$0x40];
	[tilespmem:s13+$0x430] =	vst v1;
	v1 =	vmul.f32 v6, v0  }
0x30: {  	v6 =	vmul.f32 v8, v0;
	v8 =	vld [tilespmem:s16+$0x50];
	[tilespmem:s13+$0x440] =	vst v2  }
0x31: {  	v2 =	vmul.f32 v4, v0;
	v9 =	vld [tilespmem:s16+$0x60];
	[tilespmem:s13+$0x450] =	vst v1;
	s13 =	smov.u32 s16  }
.Ltmp0:
0x32: {  	[tilespmem:s13+$0x0] =	vst v6;
	v1 =	vmul.f32 v3, v0;
	v4 =	vld [tilespmem:s13+$0x70];
	(pc) =	sbr.rel @p0 .LBB2_3-.Ltmp0, $4  }
0x33: {  	[tilespmem:s13+$0x10] =	vst v2;
	v2 =	vmul.f32 v5, v0;
	v3 =	vld [tilespmem:s13+$0x400]  }
0x34: {  	[tilespmem:s13+$0x20] =	vst v1;
	v5 =	vmul.f32 v7, v0;
	v1 =	vld [tilespmem:s13+$0x410]  }
0x35: {  	[tilespmem:s13+$0x30] =	vst v2;
	v7 =	vmul.f32 v8, v0;
	v2 =	vld [tilespmem:s13+$0x420]  }
0x36: {  	s14 =	sadd.s32 $0x80, s14;
	s15 =	sadd.s32 $0x100, s15;
	[tilespmem:s13+$0x40] =	vst v5;
	v6 =	vmul.f32 v9, v0;
	v5 =	vld [tilespmem:s13+$0x430]  }
0x37: {  	[tilespmem:s13+$0x50] =	vst v7;
	v4 =	vmul.f32 v4, v0;
	v59 =	vld [tilespmem:s13+$0x440]  }
0x38: {  	v60 =	vld [tilespmem:s13+$0x450];
	[tilespmem:s13+$0x60] =	vst v6;
	v3 =	vmul.f32 v3, v0  }
0x39: {  	[tilespmem:s13+$0x70] =	vst v4;
	v1 =	vmul.f32 v1, v0  }
0x3a: {  	[tilespmem:s13+$0x400] =	vst v3;
	v2 =	vmul.f32 v2, v0  }
0x3b: {  	[tilespmem:s13+$0x410] =	vst v1;
	v61 =	vmul.f32 v5, v0  }
0x3c: {  	[tilespmem:s13+$0x420] =	vst v2;
	v62 =	vmul.f32 v59, v0  }
0x3d: {  	s11 =	sadd.s32 $0x1, s11;
	v63 =	vmul.f32 v60, v0;
	[tilespmem:s13+$0x430] =	vst v61  }
0x3e: {  	p0 =	sne.s32 s11, $0x30;
	[tilespmem:s13+$0x440] =	vst v62  }
.Ltmp1:
0x3f: {  	s12 =	sadd.s32 s2, s12;
	[tilespmem:s13+$0x450] =	vst v63;
	(pc) =	sbr.rel @p0 .LBB2_2-.Ltmp1, $4  }
0x40: {  	[hbm4b:s12+s4] =	stream.linear.scatter [tilespmem:s4], [sflag:$0x1], $0xE000, $0x38;
	[tilespmem:$0xE080] =	vst v63  }
0x41: {  	_ =	swait.ge [sflag:s8], $0xE000  }
0x42: {  	[sflag:s8] =	ssyncset.done $0x0  }
0x43: {  	[sflag:s8] =	ssyncadd.s32 $0xFFFF2000  }
0x44: {  	s10 =	sadd.s32 $0x1, s10  }
0x45: {  	p0 =	sne.s32 s10, s7  }
.Ltmp2:
0x46: {  	_ = 	snop;
	(pc) =	sbr.rel @p0 .LBB2_1-.Ltmp2, $1  }
0x47: {  	_ =	sdelay $0x3  }
0x48: {  	_ =	sfence.sel $0x180000  }
0x49: {  	[bflag:$0x0] =	sbarrier.arrive $0xFFFF  }
0x4a: {  	p0 =	sne.s32 s3, $0x0;
	_ =	strace $0x90000047  }
0x4b: {  	s0 =	sadd.s32 @!p0 $0x100000, s0;
	[bflag:$0x2] =	sbarrier.arrive $0xFFFF  }
0x4c: {  	[sflag:s0] =	ssyncadd.tile.s32 @!p0 $0x1;
	_ =	shalt  }
.Lfunc_end2:
_tile_overlayer_lowered:
.L_overlay_start_2:
0x4d: {  	(tag) =	ssettag $0x2  }
0x4e: {  	s0 =	rddreg [dreg:$0x0];
	s2 =	stileid.u32  }
0x4f: {  	s1 =	rddreg [dreg:$0x1];
	p0 =	sne.s32 s2, $0x0  }
0x50: {  	s3 =	rddreg [dreg:$0x2];
	[bflag:$0x3] =	sbarrier.arrive $0xFFFF;
	s2 =	simm.s32 @!p0 $0x1C01  }
0x51: {  	[timem:s3], [sflag:s2] =	dma.local @!p0 [hbm:s0], s1  }
0x52: {  	s0 =	simm.s32 @!p0 $0x1  }
0x53: {  	_ =	swait.ge @!p0 [sflag:s0], s1  }
0x54: {  	s1 =	ssub.s32 @!p0 $0x0, s1;
	[sflag:s0] =	ssyncset.done @!p0 $0x0  }
0x55: {  	[sflag:s0] =	ssyncadd.s32 @!p0 s1  }
0x56: {  	[bflag:$0x3] =	sbarrier.arrive $0xFFFF  }
0x57: {  	_ =	shalt  }

</sc_bundles>
